<compile_context>
chip_gen: v7x
topology: tpu7x:2x2x1
jax: 0.10.2.dev20260603
libtpu: 0.0.44.dev20260713+nightly
codegen_flags: <defaults>
</compile_context>

<pallas_src>
import functools

import jax
import jax.numpy as jnp
from jax import lax
from jax.experimental import pallas as pl
from jax.experimental.pallas import tpu as pltpu
from jax.experimental.pallas import tpu_sc as plsc

_VOCAB = 8
_EMB_DIM = 30
_CONTEXT = 2


def kernel(x, emb, W, b):
    mesh = plsc.ScalarSubcoreMesh(axis_name="c", num_cores=1)

    @functools.partial(
        pl.kernel,
        mesh=mesh,
        out_type=jax.ShapeDtypeStruct((1, _VOCAB), jnp.float32),
        compiler_params=pltpu.CompilerParams(needs_layout_passes=False),
        scratch_types=[
            pltpu.SMEM((_CONTEXT,), jnp.int32),
            pltpu.SMEM((_VOCAB, _EMB_DIM), jnp.float32),
            pltpu.SMEM((_VOCAB, _EMB_DIM * _CONTEXT), jnp.float32),
            pltpu.SMEM((_VOCAB,), jnp.float32),
            pltpu.SMEM((_VOCAB,), jnp.float32),
            pltpu.SemaphoreType.DMA,
        ],
    )
    def sc_kernel(x_hbm, emb_hbm, w_hbm, b_hbm, out_hbm,
                  x_sm, emb_sm, w_sm, b_sm, out_sm, sem):
        cx = pltpu.async_copy(x_hbm, x_sm, sem)
        ce = pltpu.async_copy(emb_hbm, emb_sm, sem)
        cw = pltpu.async_copy(w_hbm, w_sm, sem)
        cb = pltpu.async_copy(b_hbm, b_sm, sem)
        cx.wait()
        ce.wait()
        cw.wait()
        cb.wait()

        acc = tuple(b_sm[j] for j in range(_VOCAB))
        for c in range(_CONTEXT):
            xc = x_sm[c]

            def body(d, a, c=c, xc=xc):
                h = emb_sm[xc, d]
                return tuple(
                    a[j] + h * w_sm[j, c * _EMB_DIM + d]
                    for j in range(_VOCAB)
                )

            acc = lax.fori_loop(0, _EMB_DIM, body, acc)
        for j in range(_VOCAB):
            out_sm[j] = acc[j]
        pltpu.sync_copy(out_sm, out_hbm.at[0])

    return sc_kernel(x, emb, W, b)

# --- scband reference (transcript-rebuilt; emitter-appended) ---
"""Pipeline reference for scband-model-72413148610958 (READ-ONLY COPY).

The authoritative reference and input builder live on the scoring server;
editing this copy changes nothing except your own understanding.
"""

import jax, jax.numpy as jnp
import numpy as np

VOCAB = 8  # len(set(text.split())) for the hardcoded Russian text
EMB_DIM = 30
CONTEXT = 2

def setup_inputs(seed: int = 0) -> dict:
    key = jax.random.key(seed)
    k1, k2, k3, k4 = jax.random.split(key, 4)
    x = jax.random.randint(k1, (CONTEXT,), 0, VOCAB, dtype=jnp.int64 if jax.config.jax_enable_x64 else jnp.int32).astype(jnp.int32)
    emb = jax.random.normal(k2, (VOCAB, EMB_DIM), dtype=jnp.float32)
    # nn.Linear(60, 8): weight [out, in], bias [out]
    W = jax.random.normal(k3, (VOCAB, EMB_DIM * CONTEXT), dtype=jnp.float32) * 0.1
    b = jax.random.normal(k4, (VOCAB,), dtype=jnp.float32) * 0.1
    return {"x": x, "emb": emb, "W": W, "b": b}

def reference(x, emb, W, b):
    # x: int[CONTEXT]; emb lookup -> [CONTEXT, 30] -> view(1, 60) -> linear -> [1, VOCAB]
    e = jnp.take(emb, x, axis=0)          # gather (embedding lookup)
    h = e.reshape(1, -1)                  # [1, 60]
    out = h @ W.T + b                     # [1, 8]
    return out

if __name__ == "__main__":
    import jax
    _d = setup_inputs()
    print(jax.jit(kernel)(*tuple(_d.values())))

</pallas_src>

<mosaic_0001>
#map = affine_map<(d0) -> (0)>
#map1 = affine_map<(d0) -> (0, 0)>
module attributes {stable_mosaic.version = 14 : i64} {
  func.func @sc_kernel(%arg0: i32, %arg1: memref<2xi32, #tpu.memory_space<hbm>>, %arg2: memref<8x30xf32, #tpu.memory_space<hbm>>, %arg3: memref<8x60xf32, #tpu.memory_space<hbm>>, %arg4: memref<8xf32, #tpu.memory_space<hbm>>, %arg5: memref<1x8xf32, #tpu.memory_space<hbm>>, %arg6: memref<2xi32, #tpu.memory_space<smem>>, %arg7: memref<8x30xf32, #tpu.memory_space<smem>>, %arg8: memref<8x60xf32, #tpu.memory_space<smem>>, %arg9: memref<8xf32, #tpu.memory_space<smem>>, %arg10: memref<8xf32, #tpu.memory_space<smem>>, %arg11: memref<!tpu.dma_semaphore, #tpu.memory_space<semaphore_mem>>) attributes {dimension_semantics = [#tpu.dimension_semantics<core_parallel>], iteration_bounds = array<i64: 1>, scalar_prefetch = 0 : i64, scratch_operands = 6 : i64, tpu.core_type = #tpu.core_type<sc_scalar_subcore>, window_params = [{transform_indices = #map}, {transform_indices = #map1}, {transform_indices = #map1}, {transform_indices = #map}, {transform_indices = #map1}]} {
    tpu.enqueue_dma source(%arg1 : memref<2xi32, #tpu.memory_space<hbm>>) target(%arg6 : memref<2xi32, #tpu.memory_space<smem>>) target_semaphore(%arg11 : memref<!tpu.dma_semaphore, #tpu.memory_space<semaphore_mem>>)
    tpu.enqueue_dma source(%arg2 : memref<8x30xf32, #tpu.memory_space<hbm>>) target(%arg7 : memref<8x30xf32, #tpu.memory_space<smem>>) target_semaphore(%arg11 : memref<!tpu.dma_semaphore, #tpu.memory_space<semaphore_mem>>)
    tpu.enqueue_dma source(%arg3 : memref<8x60xf32, #tpu.memory_space<hbm>>) target(%arg8 : memref<8x60xf32, #tpu.memory_space<smem>>) target_semaphore(%arg11 : memref<!tpu.dma_semaphore, #tpu.memory_space<semaphore_mem>>)
    tpu.enqueue_dma source(%arg4 : memref<8xf32, #tpu.memory_space<hbm>>) target(%arg9 : memref<8xf32, #tpu.memory_space<smem>>) target_semaphore(%arg11 : memref<!tpu.dma_semaphore, #tpu.memory_space<semaphore_mem>>)
    tpu.wait_dma2 semaphore(%arg11 : memref<!tpu.dma_semaphore, #tpu.memory_space<semaphore_mem>>) src(%arg1 : memref<2xi32, #tpu.memory_space<hbm>>) dst(%arg6 : memref<2xi32, #tpu.memory_space<smem>>)
    tpu.wait_dma2 semaphore(%arg11 : memref<!tpu.dma_semaphore, #tpu.memory_space<semaphore_mem>>) src(%arg2 : memref<8x30xf32, #tpu.memory_space<hbm>>) dst(%arg7 : memref<8x30xf32, #tpu.memory_space<smem>>)
    tpu.wait_dma2 semaphore(%arg11 : memref<!tpu.dma_semaphore, #tpu.memory_space<semaphore_mem>>) src(%arg3 : memref<8x60xf32, #tpu.memory_space<hbm>>) dst(%arg8 : memref<8x60xf32, #tpu.memory_space<smem>>)
    tpu.wait_dma2 semaphore(%arg11 : memref<!tpu.dma_semaphore, #tpu.memory_space<semaphore_mem>>) src(%arg4 : memref<8xf32, #tpu.memory_space<hbm>>) dst(%arg9 : memref<8xf32, #tpu.memory_space<smem>>)
    %get3A = arith.constant 0 : i32
    %get3A_0 = arith.index_cast %get3A : i32 to index
    %get3A_1 = memref.load %arg9[%get3A_0] : memref<8xf32, #tpu.memory_space<smem>>
    %get3A_2 = arith.constant 1 : i32
    %get3A_3 = arith.index_cast %get3A_2 : i32 to index
    %get3A_4 = memref.load %arg9[%get3A_3] : memref<8xf32, #tpu.memory_space<smem>>
    %get3A_5 = arith.constant 2 : i32
    %get3A_6 = arith.index_cast %get3A_5 : i32 to index
    %get3A_7 = memref.load %arg9[%get3A_6] : memref<8xf32, #tpu.memory_space<smem>>
    %get3A_8 = arith.constant 3 : i32
    %get3A_9 = arith.index_cast %get3A_8 : i32 to index
    %get3A_10 = memref.load %arg9[%get3A_9] : memref<8xf32, #tpu.memory_space<smem>>
    %get3A_11 = arith.constant 4 : i32
    %get3A_12 = arith.index_cast %get3A_11 : i32 to index
    %get3A_13 = memref.load %arg9[%get3A_12] : memref<8xf32, #tpu.memory_space<smem>>
    %get3A_14 = arith.constant 5 : i32
    %get3A_15 = arith.index_cast %get3A_14 : i32 to index
    %get3A_16 = memref.load %arg9[%get3A_15] : memref<8xf32, #tpu.memory_space<smem>>
    %get3A_17 = arith.constant 6 : i32
    %get3A_18 = arith.index_cast %get3A_17 : i32 to index
    %get3A_19 = memref.load %arg9[%get3A_18] : memref<8xf32, #tpu.memory_space<smem>>
    %get3A_20 = arith.constant 7 : i32
    %get3A_21 = arith.index_cast %get3A_20 : i32 to index
    %get3A_22 = memref.load %arg9[%get3A_21] : memref<8xf32, #tpu.memory_space<smem>>
    %get3A_23 = arith.constant 0 : i32
    %get3A_24 = arith.index_cast %get3A_23 : i32 to index
    %get3A_25 = memref.load %arg6[%get3A_24] : memref<2xi32, #tpu.memory_space<smem>>
    %scan3A = arith.constant 0 : i32
    %scan3A_26 = arith.constant 30 : i32
    %scan3A_27 = arith.addi %scan3A, %scan3A_26 : i32
    %scan3A_28 = arith.constant 1 : i32
    %scan3A_29:8 = scf.for %scan3A_63 = %scan3A to %scan3A_27 step %scan3A_28 iter_args(%scan3A_64 = %get3A_1, %scan3A_65 = %get3A_4, %scan3A_66 = %get3A_7, %scan3A_67 = %get3A_10, %scan3A_68 = %get3A_13, %scan3A_69 = %get3A_16, %scan3A_70 = %get3A_19, %scan3A_71 = %get3A_22) -> (f32, f32, f32, f32, f32, f32, f32, f32)  : i32 {
      %get3A_72 = arith.index_cast %get3A_25 : i32 to index
      %get3A_73 = arith.index_cast %scan3A_63 : i32 to index
      %get3A_74 = memref.load %arg7[%get3A_72, %get3A_73] : memref<8x30xf32, #tpu.memory_space<smem>>
      %add3A = arith.constant 0 : i32
      %add3A_75 = arith.addi %add3A, %scan3A_63 : i32
      %get3A_76 = arith.constant 0 : i32
      %get3A_77 = arith.index_cast %get3A_76 : i32 to index
      %get3A_78 = arith.index_cast %add3A_75 : i32 to index
      %get3A_79 = memref.load %arg8[%get3A_77, %get3A_78] : memref<8x60xf32, #tpu.memory_space<smem>>
      %mul3A = arith.mulf %get3A_74, %get3A_79 : f32
      %add3A_80 = arith.addf %scan3A_64, %mul3A : f32
      %add3A_81 = arith.constant 0 : i32
      %add3A_82 = arith.addi %add3A_81, %scan3A_63 : i32
      %get3A_83 = arith.constant 1 : i32
      %get3A_84 = arith.index_cast %get3A_83 : i32 to index
      %get3A_85 = arith.index_cast %add3A_82 : i32 to index
      %get3A_86 = memref.load %arg8[%get3A_84, %get3A_85] : memref<8x60xf32, #tpu.memory_space<smem>>
      %mul3A_87 = arith.mulf %get3A_74, %get3A_86 : f32
      %add3A_88 = arith.addf %scan3A_65, %mul3A_87 : f32
      %add3A_89 = arith.constant 0 : i32
      %add3A_90 = arith.addi %add3A_89, %scan3A_63 : i32
      %get3A_91 = arith.constant 2 : i32
      %get3A_92 = arith.index_cast %get3A_91 : i32 to index
      %get3A_93 = arith.index_cast %add3A_90 : i32 to index
      %get3A_94 = memref.load %arg8[%get3A_92, %get3A_93] : memref<8x60xf32, #tpu.memory_space<smem>>
      %mul3A_95 = arith.mulf %get3A_74, %get3A_94 : f32
      %add3A_96 = arith.addf %scan3A_66, %mul3A_95 : f32
      %add3A_97 = arith.constant 0 : i32
      %add3A_98 = arith.addi %add3A_97, %scan3A_63 : i32
      %get3A_99 = arith.constant 3 : i32
      %get3A_100 = arith.index_cast %get3A_99 : i32 to index
      %get3A_101 = arith.index_cast %add3A_98 : i32 to index
      %get3A_102 = memref.load %arg8[%get3A_100, %get3A_101] : memref<8x60xf32, #tpu.memory_space<smem>>
      %mul3A_103 = arith.mulf %get3A_74, %get3A_102 : f32
      %add3A_104 = arith.addf %scan3A_67, %mul3A_103 : f32
      %add3A_105 = arith.constant 0 : i32
      %add3A_106 = arith.addi %add3A_105, %scan3A_63 : i32
      %get3A_107 = arith.constant 4 : i32
      %get3A_108 = arith.index_cast %get3A_107 : i32 to index
      %get3A_109 = arith.index_cast %add3A_106 : i32 to index
      %get3A_110 = memref.load %arg8[%get3A_108, %get3A_109] : memref<8x60xf32, #tpu.memory_space<smem>>
      %mul3A_111 = arith.mulf %get3A_74, %get3A_110 : f32
      %add3A_112 = arith.addf %scan3A_68, %mul3A_111 : f32
      %add3A_113 = arith.constant 0 : i32
      %add3A_114 = arith.addi %add3A_113, %scan3A_63 : i32
      %get3A_115 = arith.constant 5 : i32
      %get3A_116 = arith.index_cast %get3A_115 : i32 to index
      %get3A_117 = arith.index_cast %add3A_114 : i32 to index
      %get3A_118 = memref.load %arg8[%get3A_116, %get3A_117] : memref<8x60xf32, #tpu.memory_space<smem>>
      %mul3A_119 = arith.mulf %get3A_74, %get3A_118 : f32
      %add3A_120 = arith.addf %scan3A_69, %mul3A_119 : f32
      %add3A_121 = arith.constant 0 : i32
      %add3A_122 = arith.addi %add3A_121, %scan3A_63 : i32
      %get3A_123 = arith.constant 6 : i32
      %get3A_124 = arith.index_cast %get3A_123 : i32 to index
      %get3A_125 = arith.index_cast %add3A_122 : i32 to index
      %get3A_126 = memref.load %arg8[%get3A_124, %get3A_125] : memref<8x60xf32, #tpu.memory_space<smem>>
      %mul3A_127 = arith.mulf %get3A_74, %get3A_126 : f32
      %add3A_128 = arith.addf %scan3A_70, %mul3A_127 : f32
      %add3A_129 = arith.constant 0 : i32
      %add3A_130 = arith.addi %add3A_129, %scan3A_63 : i32
      %get3A_131 = arith.constant 7 : i32
      %get3A_132 = arith.index_cast %get3A_131 : i32 to index
      %get3A_133 = arith.index_cast %add3A_130 : i32 to index
      %get3A_134 = memref.load %arg8[%get3A_132, %get3A_133] : memref<8x60xf32, #tpu.memory_space<smem>>
      %mul3A_135 = arith.mulf %get3A_74, %get3A_134 : f32
      %add3A_136 = arith.addf %scan3A_71, %mul3A_135 : f32
      scf.yield %add3A_80, %add3A_88, %add3A_96, %add3A_104, %add3A_112, %add3A_120, %add3A_128, %add3A_136 : f32, f32, f32, f32, f32, f32, f32, f32
    }
    %scan3A_30 = arith.constant 30 : i32
    %get3A_31 = arith.constant 1 : i32
    %get3A_32 = arith.index_cast %get3A_31 : i32 to index
    %get3A_33 = memref.load %arg6[%get3A_32] : memref<2xi32, #tpu.memory_space<smem>>
    %scan3A_34 = arith.constant 0 : i32
    %scan3A_35 = arith.constant 30 : i32
    %scan3A_36 = arith.addi %scan3A_34, %scan3A_35 : i32
    %scan3A_37 = arith.constant 1 : i32
    %scan3A_38:8 = scf.for %scan3A_63 = %scan3A_34 to %scan3A_36 step %scan3A_37 iter_args(%scan3A_64 = %scan3A_29#0, %scan3A_65 = %scan3A_29#1, %scan3A_66 = %scan3A_29#2, %scan3A_67 = %scan3A_29#3, %scan3A_68 = %scan3A_29#4, %scan3A_69 = %scan3A_29#5, %scan3A_70 = %scan3A_29#6, %scan3A_71 = %scan3A_29#7) -> (f32, f32, f32, f32, f32, f32, f32, f32)  : i32 {
      %get3A_72 = arith.index_cast %get3A_33 : i32 to index
      %get3A_73 = arith.index_cast %scan3A_63 : i32 to index
      %get3A_74 = memref.load %arg7[%get3A_72, %get3A_73] : memref<8x30xf32, #tpu.memory_space<smem>>
      %add3A = arith.constant 30 : i32
      %add3A_75 = arith.addi %add3A, %scan3A_63 : i32
      %get3A_76 = arith.constant 0 : i32
      %get3A_77 = arith.index_cast %get3A_76 : i32 to index
      %get3A_78 = arith.index_cast %add3A_75 : i32 to index
      %get3A_79 = memref.load %arg8[%get3A_77, %get3A_78] : memref<8x60xf32, #tpu.memory_space<smem>>
      %mul3A = arith.mulf %get3A_74, %get3A_79 : f32
      %add3A_80 = arith.addf %scan3A_64, %mul3A : f32
      %add3A_81 = arith.constant 30 : i32
      %add3A_82 = arith.addi %add3A_81, %scan3A_63 : i32
      %get3A_83 = arith.constant 1 : i32
      %get3A_84 = arith.index_cast %get3A_83 : i32 to index
      %get3A_85 = arith.index_cast %add3A_82 : i32 to index
      %get3A_86 = memref.load %arg8[%get3A_84, %get3A_85] : memref<8x60xf32, #tpu.memory_space<smem>>
      %mul3A_87 = arith.mulf %get3A_74, %get3A_86 : f32
      %add3A_88 = arith.addf %scan3A_65, %mul3A_87 : f32
      %add3A_89 = arith.constant 30 : i32
      %add3A_90 = arith.addi %add3A_89, %scan3A_63 : i32
      %get3A_91 = arith.constant 2 : i32
      %get3A_92 = arith.index_cast %get3A_91 : i32 to index
      %get3A_93 = arith.index_cast %add3A_90 : i32 to index
      %get3A_94 = memref.load %arg8[%get3A_92, %get3A_93] : memref<8x60xf32, #tpu.memory_space<smem>>
      %mul3A_95 = arith.mulf %get3A_74, %get3A_94 : f32
      %add3A_96 = arith.addf %scan3A_66, %mul3A_95 : f32
      %add3A_97 = arith.constant 30 : i32
      %add3A_98 = arith.addi %add3A_97, %scan3A_63 : i32
      %get3A_99 = arith.constant 3 : i32
      %get3A_100 = arith.index_cast %get3A_99 : i32 to index
      %get3A_101 = arith.index_cast %add3A_98 : i32 to index
      %get3A_102 = memref.load %arg8[%get3A_100, %get3A_101] : memref<8x60xf32, #tpu.memory_space<smem>>
      %mul3A_103 = arith.mulf %get3A_74, %get3A_102 : f32
      %add3A_104 = arith.addf %scan3A_67, %mul3A_103 : f32
      %add3A_105 = arith.constant 30 : i32
      %add3A_106 = arith.addi %add3A_105, %scan3A_63 : i32
      %get3A_107 = arith.constant 4 : i32
      %get3A_108 = arith.index_cast %get3A_107 : i32 to index
      %get3A_109 = arith.index_cast %add3A_106 : i32 to index
      %get3A_110 = memref.load %arg8[%get3A_108, %get3A_109] : memref<8x60xf32, #tpu.memory_space<smem>>
      %mul3A_111 = arith.mulf %get3A_74, %get3A_110 : f32
      %add3A_112 = arith.addf %scan3A_68, %mul3A_111 : f32
      %add3A_113 = arith.constant 30 : i32
      %add3A_114 = arith.addi %add3A_113, %scan3A_63 : i32
      %get3A_115 = arith.constant 5 : i32
      %get3A_116 = arith.index_cast %get3A_115 : i32 to index
      %get3A_117 = arith.index_cast %add3A_114 : i32 to index
      %get3A_118 = memref.load %arg8[%get3A_116, %get3A_117] : memref<8x60xf32, #tpu.memory_space<smem>>
      %mul3A_119 = arith.mulf %get3A_74, %get3A_118 : f32
      %add3A_120 = arith.addf %scan3A_69, %mul3A_119 : f32
      %add3A_121 = arith.constant 30 : i32
      %add3A_122 = arith.addi %add3A_121, %scan3A_63 : i32
      %get3A_123 = arith.constant 6 : i32
      %get3A_124 = arith.index_cast %get3A_123 : i32 to index
      %get3A_125 = arith.index_cast %add3A_122 : i32 to index
      %get3A_126 = memref.load %arg8[%get3A_124, %get3A_125] : memref<8x60xf32, #tpu.memory_space<smem>>
      %mul3A_127 = arith.mulf %get3A_74, %get3A_126 : f32
      %add3A_128 = arith.addf %scan3A_70, %mul3A_127 : f32
      %add3A_129 = arith.constant 30 : i32
      %add3A_130 = arith.addi %add3A_129, %scan3A_63 : i32
      %get3A_131 = arith.constant 7 : i32
      %get3A_132 = arith.index_cast %get3A_131 : i32 to index
      %get3A_133 = arith.index_cast %add3A_130 : i32 to index
      %get3A_134 = memref.load %arg8[%get3A_132, %get3A_133] : memref<8x60xf32, #tpu.memory_space<smem>>
      %mul3A_135 = arith.mulf %get3A_74, %get3A_134 : f32
      %add3A_136 = arith.addf %scan3A_71, %mul3A_135 : f32
      scf.yield %add3A_80, %add3A_88, %add3A_96, %add3A_104, %add3A_112, %add3A_120, %add3A_128, %add3A_136 : f32, f32, f32, f32, f32, f32, f32, f32
    }
    %scan3A_39 = arith.constant 30 : i32
    %swap3A = arith.constant 0 : i32
    %swap3A_40 = arith.index_cast %swap3A : i32 to index
    %swap3A_41 = memref.load %arg10[%swap3A_40] : memref<8xf32, #tpu.memory_space<smem>>
    memref.store %scan3A_38#0, %arg10[%swap3A_40] : memref<8xf32, #tpu.memory_space<smem>>
    %swap3A_42 = arith.constant 1 : i32
    %swap3A_43 = arith.index_cast %swap3A_42 : i32 to index
    %swap3A_44 = memref.load %arg10[%swap3A_43] : memref<8xf32, #tpu.memory_space<smem>>
    memref.store %scan3A_38#1, %arg10[%swap3A_43] : memref<8xf32, #tpu.memory_space<smem>>
    %swap3A_45 = arith.constant 2 : i32
    %swap3A_46 = arith.index_cast %swap3A_45 : i32 to index
    %swap3A_47 = memref.load %arg10[%swap3A_46] : memref<8xf32, #tpu.memory_space<smem>>
    memref.store %scan3A_38#2, %arg10[%swap3A_46] : memref<8xf32, #tpu.memory_space<smem>>
    %swap3A_48 = arith.constant 3 : i32
    %swap3A_49 = arith.index_cast %swap3A_48 : i32 to index
    %swap3A_50 = memref.load %arg10[%swap3A_49] : memref<8xf32, #tpu.memory_space<smem>>
    memref.store %scan3A_38#3, %arg10[%swap3A_49] : memref<8xf32, #tpu.memory_space<smem>>
    %swap3A_51 = arith.constant 4 : i32
    %swap3A_52 = arith.index_cast %swap3A_51 : i32 to index
    %swap3A_53 = memref.load %arg10[%swap3A_52] : memref<8xf32, #tpu.memory_space<smem>>
    memref.store %scan3A_38#4, %arg10[%swap3A_52] : memref<8xf32, #tpu.memory_space<smem>>
    %swap3A_54 = arith.constant 5 : i32
    %swap3A_55 = arith.index_cast %swap3A_54 : i32 to index
    %swap3A_56 = memref.load %arg10[%swap3A_55] : memref<8xf32, #tpu.memory_space<smem>>
    memref.store %scan3A_38#5, %arg10[%swap3A_55] : memref<8xf32, #tpu.memory_space<smem>>
    %swap3A_57 = arith.constant 6 : i32
    %swap3A_58 = arith.index_cast %swap3A_57 : i32 to index
    %swap3A_59 = memref.load %arg10[%swap3A_58] : memref<8xf32, #tpu.memory_space<smem>>
    memref.store %scan3A_38#6, %arg10[%swap3A_58] : memref<8xf32, #tpu.memory_space<smem>>
    %swap3A_60 = arith.constant 7 : i32
    %swap3A_61 = arith.index_cast %swap3A_60 : i32 to index
    %swap3A_62 = memref.load %arg10[%swap3A_61] : memref<8xf32, #tpu.memory_space<smem>>
    memref.store %scan3A_38#7, %arg10[%swap3A_61] : memref<8xf32, #tpu.memory_space<smem>>
    %run_scoped3A = arith.constant 0 : i32
    "tpu.region"() ({
      %run_scoped3A_63 = tpu.sem_alloc : memref<!tpu.dma_semaphore, #tpu.memory_space<semaphore_mem>>
      %dma_start3A = arith.constant 0 : i32
      %dma_start3A_64 = tpu.memref_slice %arg5[%run_scoped3A, %dma_start3A] : memref<1x8xf32, #tpu.memory_space<hbm>> -> memref<1x8xf32, #tpu.memory_space<hbm>>
      %dma_start3A_65 = tpu.memref_squeeze %dma_start3A_64 : memref<1x8xf32, #tpu.memory_space<hbm>> -> memref<8xf32, #tpu.memory_space<hbm>>
      tpu.enqueue_dma source(%arg10 : memref<8xf32, #tpu.memory_space<smem>>) target(%dma_start3A_65 : memref<8xf32, #tpu.memory_space<hbm>>) target_semaphore(%run_scoped3A_63 : memref<!tpu.dma_semaphore, #tpu.memory_space<semaphore_mem>>)
      %dma_wait3A = arith.constant 0 : i32
      %dma_wait3A_66 = tpu.memref_slice %arg5[%run_scoped3A, %dma_wait3A] : memref<1x8xf32, #tpu.memory_space<hbm>> -> memref<1x8xf32, #tpu.memory_space<hbm>>
      %dma_wait3A_67 = tpu.memref_squeeze %dma_wait3A_66 : memref<1x8xf32, #tpu.memory_space<hbm>> -> memref<8xf32, #tpu.memory_space<hbm>>
      tpu.wait_dma2 semaphore(%run_scoped3A_63 : memref<!tpu.dma_semaphore, #tpu.memory_space<semaphore_mem>>) src(%arg10 : memref<8xf32, #tpu.memory_space<smem>>) dst(%dma_wait3A_67 : memref<8xf32, #tpu.memory_space<hbm>>)
      tpu.yield
    }) : () -> ()
    return
  }
}

</mosaic_0001>

<sc_bundles>
// kernel: kernel.3.cloned.1.call-start
scs
__scs_entry_jumppad:
0x0: {  	(pc) =	sbr.rel $0x88, $3  }
0x1: {  	(tag) =	ssettag $0x0;
	lr =	simm.s32 $0x1  }
0x2: {  	[smem:$0x3F9D] =	sst lr;
	_ =	strace $0xD0000000  }
0x3: {  	_ = 	snop  }
0x4: {  	_ = 	snop  }
0x5: {  	_ = 	snop  }
0x6: {  	_ = 	snop  }
0x7: {  	_ = 	snop  }
__scs_overlays_trampoline_lowered:
0x8: {  	[smem:$0x3FAC] =	sst s0  }
0x9: {  	[smem:$0x3FAD] =	sst s1  }
0xa: {  	[smem:$0x3FAE] =	sst s2  }
0xb: {  	[smem:$0x3FAF] =	sst s3  }
0xc: {  	[smem:$0x3FB0] =	sst s4  }
0xd: {  	[smem:$0x3FB1] =	sst s5  }
0xe: {  	[smem:$0x3FB2] =	sst s6  }
0xf: {  	[smem:$0x3FB3] =	sst s7  }
0x10: {  	[smem:$0x3FB4] =	sst s8  }
0x11: {  	[smem:$0x3FB5] =	sst s9;
	s0 =	simm.s32 @!p0 $0x0  }
0x12: {  	s1 =	sld [smem:$0x3F9B];
	s0 =	simm.s32 @p0 $0x1  }
0x13: {  	[smem:$0x3FB6] =	sst s0;
	s0 =	simm.s32 @!p1 $0x0  }
0x14: {  	s2 =	sld [smem:$0x3F9A];
	s0 =	simm.s32 @p1 $0x1  }
0x15: {  	[smem:$0x3FB7] =	sst s0;
	s0 =	simm.s32 @!p2 $0x0  }
0x16: {  	s3 =	sld [smem:$0x3FDB];
	s0 =	simm.s32 @p2 $0x1  }
0x17: {  	s4 =	simm.s32 $0x1BF5;
	[smem:$0x3FB9] =	sst s0  }
0x18: {  	s0 =	sld [smem:$0x3F9C];
	_ =	swait.ge [sflag:s4], $0x0  }
0x19: {  	s7 =	sld [smem:$0x3F9D]  }
0x1a: {  	s8 =	sadd.s32 $0xFFFFE003, lr  }
0x1b: {  	s9 =	sadd.s32 $0xFFFFFEF7, lr;
	s5 =	simm.s32 $0xFFFFFFFF;
	p2 =	slt.u32 s8, $0xFFFFF086  }
0x1c: {  	p1 =	slt.u32 s9, $0xF7A;
	s5 =	simm.s32 @!p2 $0x0  }
0x1d: {  	s5 =	simm.s32 @p1 $0x1;
	p0 =	seq.s32 s7, s2  }
0x1e: {  	s7 =	smul.u32 @!p0 $0xF7A, s2;
	p2 =	seq.s32 @!p0 s5, $0x0  }
0x1f: {  	s9 =	smul.u32 $0xF7A, s1;
	s8 =	simm.s32 @!p0 $0x1BF5;
	p2 =	por !p2, p0  }
0x20: {  	[sflag:s8] =	ssyncset.s32 @!p0 $0xFFFFF086;
	s6 =	sadd.s32 @!p0 s3, s7;
	s7 =	simm.s32 @!p0 $0x108  }
0x21: {  	s3 =	sadd.s32 s3, s9;
	s6 =	sadd.s32 @!p0 $0x88, s6;
	s7 =	simm.s32 @p2 $0x1082  }
0x22: {  	[simem:s7], [sflag:s8] =	dma.local @!p0 [hbm:s6], $0xF7A  }
0x23: {  	s9 =	sor.u32 $0xD0000000, s2;
	s6 =	simm.s32 $0x108;
	_ =	swait.ge @!p0 [sflag:s8], $0x0  }
0x24: {  	s3 =	sadd.s32 $0x88, s3;
	s6 =	simm.s32 @!p1 $0x1082;
	[sflag:s4] =	ssyncset.s32 $0xFFFFF086  }
0x25: {  	[simem:s6], [sflag:s4] =	dma.local [hbm:s3], $0xF7A  }
0x26: {  	[smem:$0x3F9D] =	sst s1;
	(tag) =	ssettag s2;
	_ =	strace s9  }
0x27: {  	s1 =	sld [smem:$0x3FAD]  }
0x28: {  	s2 =	sld [smem:$0x3FAE]  }
0x29: {  	s4 =	sld [smem:$0x3FB0]  }
0x2a: {  	p0 =	seq.s32 s5, $0x0;
	s5 =	sld [smem:$0x3FB1]  }
0x2b: {  	s6 =	sld [smem:$0x3FB2]  }
0x2c: {  	s7 =	sld [smem:$0x3FB3]  }
0x2d: {  	s3 =	simm.s32 $0x108;
	s8 =	sld [smem:$0x3FB4]  }
0x2e: {  	s3 =	simm.s32 @!p0 $0x1082;
	s9 =	sld [smem:$0x3FB5]  }
0x2f: {  	lr =	sadd.s32 s0, s3;
	s0 =	sld [smem:$0x3FAC]  }
0x30: {  	s3 =	sld [smem:$0x3FAF]  }
0x31: {  	[smem:$0x3FB8] =	sst s10  }
0x32: {  	s10 =	sld [smem:$0x3FB6];
	_ =	sdelay $0x3  }
0x33: {  	p0 =	seq.s32 s10, $0x1;
	s10 =	sld [smem:$0x3FB8];
	_ =	sdelay $0x3  }
0x34: {  	[smem:$0x3FB8] =	sst s10  }
0x35: {  	s10 =	sld [smem:$0x3FB7];
	_ =	sdelay $0x3  }
0x36: {  	p1 =	seq.s32 s10, $0x1;
	s10 =	sld [smem:$0x3FB8];
	_ =	sdelay $0x3  }
0x37: {  	[smem:$0x3FB8] =	sst s10  }
0x38: {  	s10 =	sld [smem:$0x3FB9]  }
0x39: {  	_ = 	snop;
	(pc) =	sbr.ind lr, $3  }
0x3a: {  	_ = 	snop  }
0x3b: {  	_ = 	snop  }
0x3c: {  	p2 =	seq.s32 s10, $0x1;
	s10 =	sld [smem:$0x3FB8]  }
0x3d: {  	_ =	shalt  }
0x3e: {  	_ =	shalt  }
0x3f: {  	_ =	shalt  }
0x40: {  	_ =	shalt  }
0x41: {  	_ =	shalt  }
0x42: {  	_ =	shalt  }
0x43: {  	_ =	shalt  }
0x44: {  	_ =	shalt  }
0x45: {  	_ =	shalt  }
0x46: {  	_ =	shalt  }
0x47: {  	_ =	shalt  }
0x48: {  	_ =	shalt  }
0x49: {  	_ =	shalt  }
0x4a: {  	_ =	shalt  }
0x4b: {  	_ =	shalt  }
0x4c: {  	_ =	shalt  }
0x4d: {  	_ =	shalt  }
0x4e: {  	_ =	shalt  }
0x4f: {  	_ =	shalt  }
0x50: {  	_ =	shalt  }
0x51: {  	_ =	shalt  }
0x52: {  	_ =	shalt  }
0x53: {  	_ =	shalt  }
0x54: {  	_ =	shalt  }
0x55: {  	_ =	shalt  }
0x56: {  	_ =	shalt  }
0x57: {  	_ =	shalt  }
0x58: {  	_ =	shalt  }
0x59: {  	_ =	shalt  }
0x5a: {  	_ =	shalt  }
0x5b: {  	_ =	shalt  }
0x5c: {  	_ =	shalt  }
0x5d: {  	_ =	shalt  }
0x5e: {  	_ =	shalt  }
0x5f: {  	_ =	shalt  }
0x60: {  	_ =	shalt  }
0x61: {  	_ =	shalt  }
0x62: {  	_ =	shalt  }
0x63: {  	_ =	shalt  }
0x64: {  	_ =	shalt  }
0x65: {  	_ =	shalt  }
0x66: {  	_ =	shalt  }
0x67: {  	_ =	shalt  }
0x68: {  	_ =	shalt  }
0x69: {  	_ =	shalt  }
0x6a: {  	_ =	shalt  }
0x6b: {  	_ =	shalt  }
0x6c: {  	_ =	shalt  }
0x6d: {  	_ =	shalt  }
0x6e: {  	_ =	shalt  }
0x6f: {  	_ =	shalt  }
0x70: {  	_ =	shalt  }
0x71: {  	_ =	shalt  }
0x72: {  	_ =	shalt  }
0x73: {  	_ =	shalt  }
0x74: {  	_ =	shalt  }
0x75: {  	_ =	shalt  }
0x76: {  	_ =	shalt  }
0x77: {  	_ =	shalt  }
0x78: {  	_ =	shalt  }
0x79: {  	_ =	shalt  }
0x7a: {  	_ =	shalt  }
0x7b: {  	_ =	shalt  }
0x7c: {  	_ =	shalt  }
0x7d: {  	_ =	shalt  }
0x7e: {  	_ =	shalt  }
0x7f: {  	_ =	shalt  }
0x80: {  	_ =	shalt  }
0x81: {  	_ =	shalt  }
0x82: {  	_ =	shalt  }
0x83: {  	_ =	shalt  }
0x84: {  	_ =	shalt  }
0x85: {  	_ =	shalt  }
0x86: {  	_ =	shalt  }
0x87: {  	_ =	shalt  }
.Lfunc_end0:
.L_simem_size_0:
called_computation_lowered:
.L_overlay_start_0:
0x88: {  	s0 =	sld [smem:$0x3FD9]  }
0x89: {  	s1 =	sld [smem:$0x3FFE];
	_ =	sdelay $0x3  }
0x8a: {  	s0 =	sadd.s32 s1, s0  }
0x8b: {  	[smem:$0x3FC4] =	sst s0  }
0x8c: {  	_ = 	snop  }
0x8d: {  	s23 =	sld [smem:$0x3FC9]  }
0x8e: {  	s2 =	sld [smem:$0x3FC8]  }
0x8f: {  	s3 =	sld [smem:$0x3FC7]  }
0x90: {  	s4 =	sld [smem:$0x3FC6]  }
0x91: {  	s0 =	sld [smem:$0x3FD0];
	(tm) =	ssettm $0x1  }
0x92: {  	s5 =	sld [smem:$0x3FFB];
	_ =	sdelay $0x3  }
0x93: {  	_ =	strace s5  }
0x94: {  	s5 =	sld [smem:$0x3FFC];
	_ =	sdelay $0x3  }
0x95: {  	_ =	strace s5  }
0x96: {  	s5 =	sld [smem:$0x3FFD];
	_ =	sdelay $0x3  }
0x97: {  	_ =	strace s5  }
0x98: {  	s24 =	simm.s32 $0x1B8B;
	_ =	strace $0x8FFFFFFF  }
0x99: {  	_ =	swait.ge [sflag:s24], $0x1  }
0x9a: {  	[sflag:s24] =	ssyncset.done $0x0  }
0x9b: {  	s25 =	simm.s32 $0x1B8E;
	s26 =	simm.s32 $0x9;
	[sflag:s24] =	ssyncadd.s32 $0xFFFFFFFF  }
0x9c: {  	s6 =	simm.s32 $0x10;
	s28 =	simm.s32 $0x90;
	[smem:$0x3FD2] =	sst s25  }
0x9d: {  	s29 =	simm.s32 $0x490;
	s30 =	simm.s32 $0x890;
	_ =	strace $0x80000046  }
0x9e: {  	[smem:s6], [sflag:s26] =	dma.local [hbm:s23], $0x10  }
0x9f: {  	[smem:s28], [sflag:s26] =	dma.local [hbm:s2], $0x80  }
0xa0: {  	[smem:s29], [sflag:s26] =	dma.local [hbm:s3], $0x80  }
0xa1: {  	[smem:s30], [sflag:s26] =	dma.local [hbm:s4], $0x10  }
0xa2: {  	_ =	swait.ge [sflag:s26], $0x10  }
0xa3: {  	[sflag:s26] =	ssyncset.done $0x0  }
0xa4: {  	[sflag:s26] =	ssyncadd.s32 $0xFFFFFFF0;
	_ =	sdelay $0x2  }
0xa5: {  	_ =	swait.ge [sflag:s26], $0x80  }
0xa6: {  	[sflag:s26] =	ssyncset.done $0x0  }
0xa7: {  	[sflag:s26] =	ssyncadd.s32 $0xFFFFFF80;
	_ =	sdelay $0x2  }
0xa8: {  	_ =	swait.ge [sflag:s26], $0x80  }
0xa9: {  	[sflag:s26] =	ssyncset.done $0x0  }
0xaa: {  	[sflag:s26] =	ssyncadd.s32 $0xFFFFFF80;
	_ =	sdelay $0x2  }
0xab: {  	_ =	swait.ge [sflag:s26], $0x10  }
0xac: {  	[sflag:s26] =	ssyncset.done $0x0  }
0xad: {  	[sflag:s26] =	ssyncadd.s32 $0xFFFFFFF0  }
0xae: {  	s6 =	sld [smem:$0x890]  }
0xaf: {  	s7 =	sld [smem:$0x891]  }
0xb0: {  	s31 =	sld [smem:$0x10]  }
0xb1: {  	s8 =	sld [smem:$0x892]  }
0xb2: {  	s5 =	sld [smem:$0x893]  }
0xb3: {  	s4 =	sld [smem:$0x894]  }
0xb4: {  	s2 =	sld [smem:$0x895];
	s1 =	sshll.u32 s31, $0x7  }
0xb5: {  	s3 =	sld [smem:$0x896];
	s1 =	sand.u32 $0x3FFFFF80, s1  }
0xb6: {  	s13 =	simm.s32 $0x0;
	s9 =	sld [smem:$0x897];
	s11 =	sadd.s32 $0x90, s1  }
0xb7: {  	s12 =	simm.s32 $0x4;
	s1 =	srdreg.scid;
	s10 =	sld [smem:s11+s13]  }
.LBB1_1:
0xb8: {  	p0 =	sne.s32 s12, $0x74;
	s14 =	sld [smem:s13+$0x810]  }
0xb9: {  	s15 =	sld [smem:s13+$0x490]  }
0xba: {  	s16 =	sld [smem:s13+$0x510]  }
0xbb: {  	s17 =	sld [smem:s13+$0x590]  }
0xbc: {  	s18 =	sld [smem:s13+$0x610];
	s14 =	smul.f32 s14, s10  }
0xbd: {  	s15 =	smul.f32 s15, s10;
	s19 =	sld [smem:s13+$0x690]  }
0xbe: {  	s16 =	smul.f32 s16, s10;
	s9 =	sadd.f32 s14, s9  }
0xbf: {  	s14 =	smul.f32 s17, s10;
	s17 =	sld [smem:s13+$0x710]  }
0xc0: {  	s18 =	smul.f32 s18, s10;
	s13 =	sld [smem:s13+$0x790]  }
0xc1: {  	s6 =	sadd.f32 s15, s6;
	s15 =	smul.f32 s19, s10  }
0xc2: {  	s7 =	sadd.f32 s16, s7  }
0xc3: {  	s8 =	sadd.f32 s14, s8;
	s14 =	smul.f32 s17, s10  }
0xc4: {  	s5 =	sadd.f32 s18, s5;
	s10 =	smul.f32 s13, s10  }
.Ltmp0:
0xc5: {  	s4 =	sadd.f32 s15, s4;
	(pc) =	sbr.rel @p0 .LBB1_1-.Ltmp0, $3  }
0xc6: {  	s2 =	sadd.f32 s14, s2  }
0xc7: {  	s13 =	sshra.s32 s12, $0x2;
	s3 =	sadd.f32 s10, s3  }
0xc8: {  	s12 =	sadd.s32 $0x4, s12;
	s10 =	sld [smem:s11+s13]  }
0xc9: {  	s11 =	sld [smem:s13+$0x810]  }
0xca: {  	s12 =	sld [smem:s13+$0x490]  }
0xcb: {  	s14 =	sld [smem:s13+$0x510]  }
0xcc: {  	s15 =	sld [smem:s13+$0x590]  }
0xcd: {  	s16 =	sld [smem:s13+$0x610]  }
0xce: {  	s17 =	sld [smem:s13+$0x690]  }
0xcf: {  	s22 =	sld [smem:s13+$0x710]  }
0xd0: {  	s23 =	sld [smem:s13+$0x790];
	s11 =	smul.f32 s11, s10  }
0xd1: {  	s25 =	sld [smem:$0x11];
	s21 =	smul.f32 s12, s10  }
0xd2: {  	s14 =	smul.f32 s14, s10;
	s9 =	sadd.f32 s11, s9  }
0xd3: {  	s24 =	smul.f32 s15, s10;
	s6 =	sadd.f32 s21, s6  }
0xd4: {  	s16 =	smul.f32 s16, s10;
	s7 =	sadd.f32 s14, s7  }
0xd5: {  	s26 =	smul.f32 s17, s10;
	s8 =	sadd.f32 s24, s8  }
0xd6: {  	s28 =	smul.f32 s22, s10;
	s5 =	sadd.f32 s16, s5  }
0xd7: {  	s29 =	smul.f32 s23, s10;
	s30 =	sshll.u32 s25, $0x7;
	s4 =	sadd.f32 s26, s4  }
0xd8: {  	s31 =	sand.u32 $0x3FFFFF80, s30;
	s2 =	sadd.f32 s28, s2  }
0xd9: {  	s13 =	simm.s32 $0x0;
	s3 =	sadd.f32 s29, s3;
	s11 =	sadd.s32 $0x90, s31  }
0xda: {  	s12 =	simm.s32 $0x4;
	s10 =	sld [smem:s11+s13]  }
.LBB1_3:
0xdb: {  	p0 =	sne.s32 s12, $0x74;
	s14 =	sld [smem:s13+$0x82E]  }
0xdc: {  	s15 =	sld [smem:s13+$0x4AE]  }
0xdd: {  	s16 =	sld [smem:s13+$0x52E]  }
0xde: {  	s17 =	sld [smem:s13+$0x5AE]  }
0xdf: {  	s18 =	sld [smem:s13+$0x62E];
	s14 =	smul.f32 s14, s10  }
0xe0: {  	s15 =	smul.f32 s15, s10;
	s19 =	sld [smem:s13+$0x6AE]  }
0xe1: {  	s16 =	smul.f32 s16, s10;
	s9 =	sadd.f32 s14, s9  }
0xe2: {  	s14 =	smul.f32 s17, s10;
	s17 =	sld [smem:s13+$0x72E]  }
0xe3: {  	s18 =	smul.f32 s18, s10;
	s13 =	sld [smem:s13+$0x7AE]  }
0xe4: {  	s6 =	sadd.f32 s15, s6;
	s15 =	smul.f32 s19, s10  }
0xe5: {  	s7 =	sadd.f32 s16, s7  }
0xe6: {  	s8 =	sadd.f32 s14, s8;
	s14 =	smul.f32 s17, s10  }
0xe7: {  	s5 =	sadd.f32 s18, s5;
	s10 =	smul.f32 s13, s10  }
.Ltmp1:
0xe8: {  	s4 =	sadd.f32 s15, s4;
	(pc) =	sbr.rel @p0 .LBB1_3-.Ltmp1, $3  }
0xe9: {  	s2 =	sadd.f32 s14, s2  }
0xea: {  	s13 =	sshra.s32 s12, $0x2;
	s3 =	sadd.f32 s10, s3  }
0xeb: {  	s12 =	sadd.s32 $0x4, s12;
	s10 =	sld [smem:s11+s13]  }
0xec: {  	s11 =	sld [smem:s13+$0x82E]  }
0xed: {  	s12 =	sld [smem:s13+$0x4AE]  }
0xee: {  	s14 =	sld [smem:s13+$0x52E]  }
0xef: {  	s15 =	sld [smem:s13+$0x5AE]  }
0xf0: {  	s16 =	sld [smem:s13+$0x62E]  }
0xf1: {  	s17 =	sld [smem:s13+$0x6AE]  }
0xf2: {  	s20 =	sld [smem:s13+$0x72E];
	s11 =	smul.f32 s11, s10  }
0xf3: {  	s21 =	sld [smem:s13+$0x7AE];
	s19 =	smul.f32 s12, s10  }
0xf4: {  	s14 =	smul.f32 s14, s10;
	s9 =	sadd.f32 s11, s9  }
0xf5: {  	s15 =	smul.f32 s15, s10;
	s6 =	sadd.f32 s19, s6  }
0xf6: {  	s22 =	smul.f32 s16, s10;
	s7 =	sadd.f32 s14, s7  }
0xf7: {  	s23 =	smul.f32 s17, s10;
	s8 =	sadd.f32 s15, s8  }
0xf8: {  	s12 =	smul.f32 s20, s10;
	s5 =	sadd.f32 s22, s5  }
0xf9: {  	s24 =	smul.f32 s21, s10;
	s4 =	sadd.f32 s23, s4  }
0xfa: {  	s2 =	sadd.f32 s12, s2  }
0xfb: {  	s3 =	sadd.f32 s24, s3  }
0xfc: {  	[smem:$0x910] =	sst s6  }
0xfd: {  	[smem:$0x911] =	sst s7  }
0xfe: {  	[smem:$0x912] =	sst s8  }
0xff: {  	[smem:$0x913] =	sst s5  }
0x100: {  	[smem:$0x914] =	sst s4  }
0x101: {  	[smem:$0x915] =	sst s2  }
0x102: {  	[smem:$0x916] =	sst s3  }
0x103: {  	s25 =	simm.s32 $0x910;
	s26 =	simm.s32 $0xA;
	[smem:$0x917] =	sst s9  }
0x104: {  	[hbm:s0], [sflag:s26] =	dma.local [smem:s25], $0x10  }
0x105: {  	_ =	swait.ge [sflag:s26], $0x10  }
0x106: {  	[sflag:s26] =	ssyncset.done $0x0  }
0x107: {  	[sflag:s26] =	ssyncadd.s32 $0xFFFFFFF0  }
0x108: {  	_ =	strace $0x90000046  }
0x109: {  	_ =	sfence  }
0x10a: {  	s28 =	sld [smem:$0x0];
	_ =	sdelay $0x2  }
0x10b: {  	s29 =	sshll.u32 s1, $0xD;
	s30 =	sshrl.u32 s1, $0x2  }
0x10c: {  	s31 =	sand.u32 $0x1, s1;
	s2 =	sand.u32 $0x4000, s29;
	s0 =	sadd.s32 s30, s28  }
0x10d: {  	s1 =	sor.u32 s2, s31;
	s0 =	sshll.u32 s0, $0x11  }
0x10e: {  	s0 =	sor.u32 s0, s1  }
0x10f: {  	s0 =	sadd.s32 $0x8F2B, s0;
	(pc) =	sbr.abs _section_cstart, $3  }
0x110: {  	[sflag:s0] =	ssyncadd.remote.s32 $0x1  }
0x111: {  	_ =	strace $0x9FFFFFFF  }
0x112: {  	(tm) =	ssettm $0x7FFFFFFF  }
0x113: {  	_ =	shalt  }

</sc_bundles>
